<compile_context>
chip_gen: v7x
topology: tpu7x:2x2x1
jax: 0.10.2.dev20260603
libtpu: 0.0.44.dev20260713+nightly
codegen_flags: <defaults>
</compile_context>

<pallas_src>
import functools

import jax
import jax.numpy as jnp
from jax import lax
from jax.experimental import pallas as pl
from jax.experimental.pallas import tpu as pltpu
from jax.experimental.pallas import tpu_sc as plsc

_N = 2048
_MARGIN = 0.1
_L = 16

_SC_ROWS = 256
_NW = 16
_ROWS_PER_W = _SC_ROWS // _NW
_SC_BASE = _N - _SC_ROWS

_TC_ROWS = _N - _SC_ROWS
_BLK = 896


def _sc_body(o_hbm, y_hbm, out_hbm, o_v, y_v, ob_v, yb_v, part_v):
    w = lax.axis_index("s")
    base = _SC_BASE + w * _ROWS_PER_W
    pltpu.sync_copy(o_hbm, o_v)
    pltpu.sync_copy(y_hbm, y_v)

    lane_scaled = lax.iota(jnp.int32, _L) * _L
    for g in range(_ROWS_PER_W // _L):
        vor = o_v[pl.ds(base + g * _L, _L)]
        vyr = y_v[pl.ds(base + g * _L, _L)]
        for c in range(_L):
            idx = lane_scaled + (g * _L * _L + c)
            plsc.store_scatter(ob_v, [idx], vor)
            plsc.store_scatter(yb_v, [idx], vyr)

    zero = jnp.zeros((_L,), jnp.float32)
    ones = jnp.ones((_L,), jnp.float32)

    def row_body(r, carry):
        o_rb = ob_v[pl.ds(r, _L)]
        y_rb = yb_v[pl.ds(r, _L)]

        def col_body(i, c2):
            acc_s, acc_c = c2
            vo = o_v[pl.ds(i, _L)]
            vy = y_v[pl.ds(i, _L)]
            dy = y_rb - vy
            do = o_rb - vo
            ds = jnp.where(dy > 0.0, do, -do)
            p = jnp.maximum(_MARGIN - ds, 0.0)
            valid = dy != 0.0
            return (acc_s + jnp.where(valid, p, 0.0),
                    acc_c + jnp.where(valid, ones, 0.0))

        return plsc.parallel_loop(0, _N, _L, unroll=8, carry=carry)(col_body)

    acc = plsc.parallel_loop(0, _ROWS_PER_W * _L, _L, unroll=1,
                             carry=(zero, zero))(row_body)
    part_v[0, :] = acc[0]
    part_v[1, :] = acc[1]
    pltpu.sync_copy(part_v, out_hbm.at[w])


_sc_pairs = functools.partial(
    pl.kernel,
    out_type=jax.ShapeDtypeStruct((_NW, 2, _L), jnp.float32),
    mesh=plsc.VectorSubcoreMesh(core_axis_name="c", subcore_axis_name="s",
                                num_cores=1),
    compiler_params=pltpu.CompilerParams(needs_layout_passes=False),
    scratch_types=[
        pltpu.VMEM((_N,), jnp.float32),
        pltpu.VMEM((_N,), jnp.float32),
        pltpu.VMEM((_ROWS_PER_W * _L,), jnp.float32),
        pltpu.VMEM((_ROWS_PER_W * _L,), jnp.float32),
        pltpu.VMEM((2, _L), jnp.float32),
    ],
)(_sc_body)


def _tc_body(orow_ref, yrow_ref, ocol_ref, ycol_ref, out_ref, acc_ref):
    i = pl.program_id(0)

    @pl.when(i == 0)
    def _init():
        acc_ref[0] = 0.0
        acc_ref[1] = 0.0

    orow = orow_ref[...]
    yrow = yrow_ref[...]
    oc = ocol_ref[...]
    yc = ycol_ref[...]
    dy = yrow - yc
    do = orow - oc
    t = jnp.sign(dy)
    per = jnp.maximum(0.0, _MARGIN - t * do)
    valid = dy != 0.0
    acc_ref[0] += jnp.sum(jnp.where(valid, per, 0.0))
    acc_ref[1] += jnp.sum(valid.astype(jnp.float32))

    @pl.when(i == pl.num_programs(0) - 1)
    def _fin():
        out_ref[...] = jnp.stack([acc_ref[0], acc_ref[1]]).reshape(1, 2)


def _fin_body(tc_ref, parts_ref, out_ref):
    p = parts_ref[...]
    t = tc_ref[...]
    s = jnp.sum(p[:, 0, :]) + t[0, 0]
    c = jnp.sum(p[:, 1, :]) + t[0, 1]
    out_ref[...] = jnp.full((1, 1), s / jnp.maximum(c, 1.0), dtype=jnp.float32)


def kernel(outputs, y):
    o = outputs.reshape(_N)
    yv = y.reshape(_N)
    parts = _sc_pairs(o, yv)

    o2 = outputs.reshape(_N, 1)
    y2 = y.reshape(_N, 1)
    oc = outputs.reshape(1, _N)
    yc = y.reshape(1, _N)
    tc_part = pl.pallas_call(
        _tc_body,
        grid=(_TC_ROWS // _BLK,),
        in_specs=[
            pl.BlockSpec((_BLK, 1), lambda i: (i, 0)),
            pl.BlockSpec((_BLK, 1), lambda i: (i, 0)),
            pl.BlockSpec((1, _N), lambda i: (0, 0)),
            pl.BlockSpec((1, _N), lambda i: (0, 0)),
        ],
        out_specs=pl.BlockSpec((1, 2), lambda i: (0, 0)),
        out_shape=jax.ShapeDtypeStruct((1, 2), jnp.float32),
        scratch_shapes=[pltpu.SMEM((2,), jnp.float32)],
    )(o2, y2, oc, yc)

    res = pl.pallas_call(
        _fin_body,
        out_shape=jax.ShapeDtypeStruct((1, 1), jnp.float32),
    )(tc_part, parts)
    return res.reshape(())

# --- scband reference (transcript-rebuilt; emitter-appended) ---
"""Pipeline reference for scband-pure-ranking-loss-22076131902013 (READ-ONLY COPY).

The authoritative reference and input builder live on the scoring server;
editing this copy changes nothing except your own understanding.
"""

import jax, jax.numpy as jnp
import numpy as np

N = 2048
MARGIN = 0.1

def setup_inputs(seed: int = 0) -> dict:
    key = jax.random.key(seed)
    k1, k2 = jax.random.split(key)
    outputs = jax.random.normal(k1, (N,), dtype=jnp.float32)
    y = jax.random.normal(k2, (N,), dtype=jnp.float32)
    return {"outputs": outputs, "y": y}

def reference(outputs, y):
    outputs = outputs.reshape(-1)
    y = y.reshape(-1)
    n = outputs.shape[0]
    # deterministic all-pairs branch: max_possible <= max_pairs
    ii, jj = jnp.triu_indices(n, k=1)
    y_diff = y[ii] - y[jj]
    target = jnp.sign(y_diff)
    valid = target != 0
    x1 = outputs[ii]
    x2 = outputs[jj]
    # MarginRankingLoss (reduction='mean') over valid pairs:
    # mean(max(0, -target*(x1-x2) + margin))
    per_pair = jnp.maximum(0.0, -target * (x1 - x2) + MARGIN)
    num_valid = jnp.sum(valid)
    loss = jnp.sum(jnp.where(valid, per_pair, 0.0)) / jnp.maximum(num_valid, 1)
    return loss

if __name__ == "__main__":
    import jax
    _d = setup_inputs()
    print(jax.jit(kernel)(*tuple(_d.values())))

</pallas_src>

<mosaic_0001>
#map = affine_map<(d0, d1) -> (0)>
#map1 = affine_map<(d0, d1) -> (0, 0, 0)>
module attributes {stable_mosaic.version = 14 : i64} {
  func.func @_sc_body(%arg0: i32, %arg1: i32, %arg2: memref<2048xf32, #tpu.memory_space<hbm>>, %arg3: memref<2048xf32, #tpu.memory_space<hbm>>, %arg4: memref<16x2x16xf32, #tpu.memory_space<hbm>>, %arg5: memref<2048xf32, #tpu.memory_space<vmem>>, %arg6: memref<2048xf32, #tpu.memory_space<vmem>>, %arg7: memref<256xf32, #tpu.memory_space<vmem>>, %arg8: memref<256xf32, #tpu.memory_space<vmem>>, %arg9: memref<2x16xf32, #tpu.memory_space<vmem>>) attributes {dimension_semantics = [#tpu.dimension_semantics<core_parallel>, #tpu.dimension_semantics<subcore_parallel>], iteration_bounds = array<i64: 1, 16>, scalar_prefetch = 0 : i64, scratch_operands = 5 : i64, tpu.core_type = #tpu.core_type<sc_vector_subcore>, window_params = [{transform_indices = #map}, {transform_indices = #map}, {transform_indices = #map1}]} {
    %mul3A = arith.constant 16 : i32
    %mul3A_0 = arith.muli %arg1, %mul3A : i32
    %add3A = arith.constant 1792 : i32
    %add3A_1 = arith.addi %add3A, %mul3A_0 : i32
    "tpu.region"() ({
      %run_scoped3A = tpu.sem_alloc : memref<!tpu.dma_semaphore, #tpu.memory_space<semaphore_mem>>
      tpu.enqueue_dma source(%arg2 : memref<2048xf32, #tpu.memory_space<hbm>>) target(%arg5 : memref<2048xf32, #tpu.memory_space<vmem>>) target_semaphore(%run_scoped3A : memref<!tpu.dma_semaphore, #tpu.memory_space<semaphore_mem>>)
      tpu.wait_dma2 semaphore(%run_scoped3A : memref<!tpu.dma_semaphore, #tpu.memory_space<semaphore_mem>>) src(%arg2 : memref<2048xf32, #tpu.memory_space<hbm>>) dst(%arg5 : memref<2048xf32, #tpu.memory_space<vmem>>)
      tpu.yield
    }) : () -> ()
    "tpu.region"() ({
      %run_scoped3A = tpu.sem_alloc : memref<!tpu.dma_semaphore, #tpu.memory_space<semaphore_mem>>
      tpu.enqueue_dma source(%arg3 : memref<2048xf32, #tpu.memory_space<hbm>>) target(%arg6 : memref<2048xf32, #tpu.memory_space<vmem>>) target_semaphore(%run_scoped3A : memref<!tpu.dma_semaphore, #tpu.memory_space<semaphore_mem>>)
      tpu.wait_dma2 semaphore(%run_scoped3A : memref<!tpu.dma_semaphore, #tpu.memory_space<semaphore_mem>>) src(%arg3 : memref<2048xf32, #tpu.memory_space<hbm>>) dst(%arg6 : memref<2048xf32, #tpu.memory_space<vmem>>)
      tpu.yield
    }) : () -> ()
    %iota3A = tpu.iota {dimensions = array<i32: 0>} : vector<16xi32>
    %mul3A_2 = arith.constant 16 : i32
    %mul3A_3 = vector.broadcast %mul3A_2 : i32 to vector<16xi32>
    %mul3A_4 = arith.muli %iota3A, %mul3A_3 : vector<16xi32>
    %add3A_5 = arith.constant 0 : i32
    %add3A_6 = arith.addi %add3A_1, %add3A_5 : i32
    %get3A = arith.index_cast %add3A_6 : i32 to index
    %get3A_7 = tpu.vector_load %arg5[%get3A] {strides = array<i32>} : memref<2048xf32, #tpu.memory_space<vmem>>, vector<16xf32>,
    %add3A_8 = arith.constant 0 : i32
    %add3A_9 = arith.addi %add3A_1, %add3A_8 : i32
    %get3A_10 = arith.index_cast %add3A_9 : i32 to index
    %get3A_11 = tpu.vector_load %arg6[%get3A_10] {strides = array<i32>} : memref<2048xf32, #tpu.memory_space<vmem>>, vector<16xf32>,
    %add3A_12 = arith.constant 0 : i32
    %add3A_13 = vector.broadcast %add3A_12 : i32 to vector<16xi32>
    %add3A_14 = arith.addi %mul3A_4, %add3A_13 : vector<16xi32>
    tpu.vector_store_idx %arg7[%add3A_14], %get3A_7 : memref<256xf32, #tpu.memory_space<vmem>>[vector<16xi32>], vector<16xf32>,
    tpu.vector_store_idx %arg8[%add3A_14], %get3A_11 : memref<256xf32, #tpu.memory_space<vmem>>[vector<16xi32>], vector<16xf32>,
    %add3A_15 = arith.constant 1 : i32
    %add3A_16 = vector.broadcast %add3A_15 : i32 to vector<16xi32>
    %add3A_17 = arith.addi %mul3A_4, %add3A_16 : vector<16xi32>
    tpu.vector_store_idx %arg7[%add3A_17], %get3A_7 : memref<256xf32, #tpu.memory_space<vmem>>[vector<16xi32>], vector<16xf32>,
    tpu.vector_store_idx %arg8[%add3A_17], %get3A_11 : memref<256xf32, #tpu.memory_space<vmem>>[vector<16xi32>], vector<16xf32>,
    %add3A_18 = arith.constant 2 : i32
    %add3A_19 = vector.broadcast %add3A_18 : i32 to vector<16xi32>
    %add3A_20 = arith.addi %mul3A_4, %add3A_19 : vector<16xi32>
    tpu.vector_store_idx %arg7[%add3A_20], %get3A_7 : memref<256xf32, #tpu.memory_space<vmem>>[vector<16xi32>], vector<16xf32>,
    tpu.vector_store_idx %arg8[%add3A_20], %get3A_11 : memref<256xf32, #tpu.memory_space<vmem>>[vector<16xi32>], vector<16xf32>,
    %add3A_21 = arith.constant 3 : i32
    %add3A_22 = vector.broadcast %add3A_21 : i32 to vector<16xi32>
    %add3A_23 = arith.addi %mul3A_4, %add3A_22 : vector<16xi32>
    tpu.vector_store_idx %arg7[%add3A_23], %get3A_7 : memref<256xf32, #tpu.memory_space<vmem>>[vector<16xi32>], vector<16xf32>,
    tpu.vector_store_idx %arg8[%add3A_23], %get3A_11 : memref<256xf32, #tpu.memory_space<vmem>>[vector<16xi32>], vector<16xf32>,
    %add3A_24 = arith.constant 4 : i32
    %add3A_25 = vector.broadcast %add3A_24 : i32 to vector<16xi32>
    %add3A_26 = arith.addi %mul3A_4, %add3A_25 : vector<16xi32>
    tpu.vector_store_idx %arg7[%add3A_26], %get3A_7 : memref<256xf32, #tpu.memory_space<vmem>>[vector<16xi32>], vector<16xf32>,
    tpu.vector_store_idx %arg8[%add3A_26], %get3A_11 : memref<256xf32, #tpu.memory_space<vmem>>[vector<16xi32>], vector<16xf32>,
    %add3A_27 = arith.constant 5 : i32
    %add3A_28 = vector.broadcast %add3A_27 : i32 to vector<16xi32>
    %add3A_29 = arith.addi %mul3A_4, %add3A_28 : vector<16xi32>
    tpu.vector_store_idx %arg7[%add3A_29], %get3A_7 : memref<256xf32, #tpu.memory_space<vmem>>[vector<16xi32>], vector<16xf32>,
    tpu.vector_store_idx %arg8[%add3A_29], %get3A_11 : memref<256xf32, #tpu.memory_space<vmem>>[vector<16xi32>], vector<16xf32>,
    %add3A_30 = arith.constant 6 : i32
    %add3A_31 = vector.broadcast %add3A_30 : i32 to vector<16xi32>
    %add3A_32 = arith.addi %mul3A_4, %add3A_31 : vector<16xi32>
    tpu.vector_store_idx %arg7[%add3A_32], %get3A_7 : memref<256xf32, #tpu.memory_space<vmem>>[vector<16xi32>], vector<16xf32>,
    tpu.vector_store_idx %arg8[%add3A_32], %get3A_11 : memref<256xf32, #tpu.memory_space<vmem>>[vector<16xi32>], vector<16xf32>,
    %add3A_33 = arith.constant 7 : i32
    %add3A_34 = vector.broadcast %add3A_33 : i32 to vector<16xi32>
    %add3A_35 = arith.addi %mul3A_4, %add3A_34 : vector<16xi32>
    tpu.vector_store_idx %arg7[%add3A_35], %get3A_7 : memref<256xf32, #tpu.memory_space<vmem>>[vector<16xi32>], vector<16xf32>,
    tpu.vector_store_idx %arg8[%add3A_35], %get3A_11 : memref<256xf32, #tpu.memory_space<vmem>>[vector<16xi32>], vector<16xf32>,
    %add3A_36 = arith.constant 8 : i32
    %add3A_37 = vector.broadcast %add3A_36 : i32 to vector<16xi32>
    %add3A_38 = arith.addi %mul3A_4, %add3A_37 : vector<16xi32>
    tpu.vector_store_idx %arg7[%add3A_38], %get3A_7 : memref<256xf32, #tpu.memory_space<vmem>>[vector<16xi32>], vector<16xf32>,
    tpu.vector_store_idx %arg8[%add3A_38], %get3A_11 : memref<256xf32, #tpu.memory_space<vmem>>[vector<16xi32>], vector<16xf32>,
    %add3A_39 = arith.constant 9 : i32
    %add3A_40 = vector.broadcast %add3A_39 : i32 to vector<16xi32>
    %add3A_41 = arith.addi %mul3A_4, %add3A_40 : vector<16xi32>
    tpu.vector_store_idx %arg7[%add3A_41], %get3A_7 : memref<256xf32, #tpu.memory_space<vmem>>[vector<16xi32>], vector<16xf32>,
    tpu.vector_store_idx %arg8[%add3A_41], %get3A_11 : memref<256xf32, #tpu.memory_space<vmem>>[vector<16xi32>], vector<16xf32>,
    %add3A_42 = arith.constant 10 : i32
    %add3A_43 = vector.broadcast %add3A_42 : i32 to vector<16xi32>
    %add3A_44 = arith.addi %mul3A_4, %add3A_43 : vector<16xi32>
    tpu.vector_store_idx %arg7[%add3A_44], %get3A_7 : memref<256xf32, #tpu.memory_space<vmem>>[vector<16xi32>], vector<16xf32>,
    tpu.vector_store_idx %arg8[%add3A_44], %get3A_11 : memref<256xf32, #tpu.memory_space<vmem>>[vector<16xi32>], vector<16xf32>,
    %add3A_45 = arith.constant 11 : i32
    %add3A_46 = vector.broadcast %add3A_45 : i32 to vector<16xi32>
    %add3A_47 = arith.addi %mul3A_4, %add3A_46 : vector<16xi32>
    tpu.vector_store_idx %arg7[%add3A_47], %get3A_7 : memref<256xf32, #tpu.memory_space<vmem>>[vector<16xi32>], vector<16xf32>,
    tpu.vector_store_idx %arg8[%add3A_47], %get3A_11 : memref<256xf32, #tpu.memory_space<vmem>>[vector<16xi32>], vector<16xf32>,
    %add3A_48 = arith.constant 12 : i32
    %add3A_49 = vector.broadcast %add3A_48 : i32 to vector<16xi32>
    %add3A_50 = arith.addi %mul3A_4, %add3A_49 : vector<16xi32>
    tpu.vector_store_idx %arg7[%add3A_50], %get3A_7 : memref<256xf32, #tpu.memory_space<vmem>>[vector<16xi32>], vector<16xf32>,
    tpu.vector_store_idx %arg8[%add3A_50], %get3A_11 : memref<256xf32, #tpu.memory_space<vmem>>[vector<16xi32>], vector<16xf32>,
    %add3A_51 = arith.constant 13 : i32
    %add3A_52 = vector.broadcast %add3A_51 : i32 to vector<16xi32>
    %add3A_53 = arith.addi %mul3A_4, %add3A_52 : vector<16xi32>
    tpu.vector_store_idx %arg7[%add3A_53], %get3A_7 : memref<256xf32, #tpu.memory_space<vmem>>[vector<16xi32>], vector<16xf32>,
    tpu.vector_store_idx %arg8[%add3A_53], %get3A_11 : memref<256xf32, #tpu.memory_space<vmem>>[vector<16xi32>], vector<16xf32>,
    %add3A_54 = arith.constant 14 : i32
    %add3A_55 = vector.broadcast %add3A_54 : i32 to vector<16xi32>
    %add3A_56 = arith.addi %mul3A_4, %add3A_55 : vector<16xi32>
    tpu.vector_store_idx %arg7[%add3A_56], %get3A_7 : memref<256xf32, #tpu.memory_space<vmem>>[vector<16xi32>], vector<16xf32>,
    tpu.vector_store_idx %arg8[%add3A_56], %get3A_11 : memref<256xf32, #tpu.memory_space<vmem>>[vector<16xi32>], vector<16xf32>,
    %add3A_57 = arith.constant 15 : i32
    %add3A_58 = vector.broadcast %add3A_57 : i32 to vector<16xi32>
    %add3A_59 = arith.addi %mul3A_4, %add3A_58 : vector<16xi32>
    tpu.vector_store_idx %arg7[%add3A_59], %get3A_7 : memref<256xf32, #tpu.memory_space<vmem>>[vector<16xi32>], vector<16xf32>,
    tpu.vector_store_idx %arg8[%add3A_59], %get3A_11 : memref<256xf32, #tpu.memory_space<vmem>>[vector<16xi32>], vector<16xf32>,
    %broadcast_in_dim3A = arith.constant 0.000000e+00 : f32
    %broadcast_in_dim3A_60 = vector.broadcast %broadcast_in_dim3A : f32 to vector<16xf32>
    %broadcast_in_dim3A_61 = arith.constant 1.000000e+00 : f32
    %broadcast_in_dim3A_62 = vector.broadcast %broadcast_in_dim3A_61 : f32 to vector<16xf32>
    %parallel_loop3A = arith.constant 0 : i32
    %parallel_loop3A_63 = arith.constant 256 : i32
    %parallel_loop3A_64 = arith.constant 16 : i32
    %parallel_loop3A_65:2 = scf.for %parallel_loop3A_73 = %parallel_loop3A to %parallel_loop3A_63 step %parallel_loop3A_64 iter_args(%parallel_loop3A_74 = %broadcast_in_dim3A_60, %parallel_loop3A_75 = %broadcast_in_dim3A_60) -> (vector<16xf32>, vector<16xf32>)  : i32 {
      %parallel_loop3A_76 = arith.index_cast %parallel_loop3A_73 : i32 to index
      %parallel_loop3A_77 = tpu.vector_load %arg7[%parallel_loop3A_76] {strides = array<i32>} : memref<256xf32, #tpu.memory_space<vmem>>, vector<16xf32>,
      %parallel_loop3A_78 = arith.index_cast %parallel_loop3A_73 : i32 to index
      %parallel_loop3A_79 = tpu.vector_load %arg8[%parallel_loop3A_78] {strides = array<i32>} : memref<256xf32, #tpu.memory_space<vmem>>, vector<16xf32>,
      %parallel_loop3A_80 = arith.constant 0 : i32
      %parallel_loop3A_81 = arith.constant 2048 : i32
      %parallel_loop3A_82 = arith.constant 16 : i32
      %parallel_loop3A_83:2 = scf.for %parallel_loop3A_84 = %parallel_loop3A_80 to %parallel_loop3A_81 step %parallel_loop3A_82 iter_args(%parallel_loop3A_85 = %parallel_loop3A_74, %parallel_loop3A_86 = %parallel_loop3A_75) -> (vector<16xf32>, vector<16xf32>)  : i32 {
        %parallel_loop3A_87 = arith.index_cast %parallel_loop3A_84 : i32 to index
        %parallel_loop3A_88 = tpu.vector_load %arg5[%parallel_loop3A_87] {strides = array<i32>} : memref<2048xf32, #tpu.memory_space<vmem>>, vector<16xf32>,
        %parallel_loop3A_89 = arith.index_cast %parallel_loop3A_84 : i32 to index
        %parallel_loop3A_90 = tpu.vector_load %arg6[%parallel_loop3A_89] {strides = array<i32>} : memref<2048xf32, #tpu.memory_space<vmem>>, vector<16xf32>,
        %parallel_loop3A_91 = arith.subf %parallel_loop3A_79, %parallel_loop3A_90 : vector<16xf32>
        %parallel_loop3A_92 = arith.subf %parallel_loop3A_77, %parallel_loop3A_88 : vector<16xf32>
        %parallel_loop3A_93 = arith.constant 0.000000e+00 : f32
        %parallel_loop3A_94 = vector.broadcast %parallel_loop3A_93 : f32 to vector<16xf32>
        %parallel_loop3A_95 = arith.cmpf ogt, %parallel_loop3A_91, %parallel_loop3A_94 : vector<16xf32>
        %parallel_loop3A_96 = arith.constant 0.000000e+00 : f32
        %parallel_loop3A_97 = vector.broadcast %parallel_loop3A_96 : f32 to vector<16xf32>
        %parallel_loop3A_98 = arith.subf %parallel_loop3A_97, %parallel_loop3A_92 : vector<16xf32>
        %parallel_loop3A_99 = arith.select %parallel_loop3A_95, %parallel_loop3A_92, %parallel_loop3A_98 : vector<16xi1>, vector<16xf32>
        %parallel_loop3A_100 = arith.constant 1.000000e-01 : f32
        %parallel_loop3A_101 = vector.broadcast %parallel_loop3A_100 : f32 to vector<16xf32>
        %parallel_loop3A_102 = arith.subf %parallel_loop3A_101, %parallel_loop3A_99 : vector<16xf32>
        %parallel_loop3A_103 = arith.constant 0.000000e+00 : f32
        %parallel_loop3A_104 = vector.broadcast %parallel_loop3A_103 : f32 to vector<16xf32>
        %parallel_loop3A_105 = arith.maximumf %parallel_loop3A_102, %parallel_loop3A_104 : vector<16xf32>
        %parallel_loop3A_106 = arith.constant 0.000000e+00 : f32
        %parallel_loop3A_107 = vector.broadcast %parallel_loop3A_106 : f32 to vector<16xf32>
        %parallel_loop3A_108 = arith.cmpf one, %parallel_loop3A_91, %parallel_loop3A_107 : vector<16xf32>
        %parallel_loop3A_109 = arith.constant 0.000000e+00 : f32
        %parallel_loop3A_110 = vector.broadcast %parallel_loop3A_109 : f32 to vector<16xf32>
        %parallel_loop3A_111 = arith.select %parallel_loop3A_108, %parallel_loop3A_105, %parallel_loop3A_110 : vector<16xi1>, vector<16xf32>
        %parallel_loop3A_112 = arith.addf %parallel_loop3A_85, %parallel_loop3A_111 : vector<16xf32>
        %parallel_loop3A_113 = arith.constant 0.000000e+00 : f32
        %parallel_loop3A_114 = vector.broadcast %parallel_loop3A_113 : f32 to vector<16xf32>
        %parallel_loop3A_115 = arith.select %parallel_loop3A_108, %broadcast_in_dim3A_62, %parallel_loop3A_114 : vector<16xi1>, vector<16xf32>
        %parallel_loop3A_116 = arith.addf %parallel_loop3A_86, %parallel_loop3A_115 : vector<16xf32>
        scf.yield %parallel_loop3A_112, %parallel_loop3A_116 : vector<16xf32>, vector<16xf32>
      } {sc.loop_unroll_factor = 8 : i64, sc.parallel_access}
      scf.yield %parallel_loop3A_83#0, %parallel_loop3A_83#1 : vector<16xf32>, vector<16xf32>
    } {sc.loop_unroll_factor = 1 : i64, sc.parallel_access}
    %swap3A = arith.constant 0 : i32
    %swap3A_66 = arith.index_cast %swap3A : i32 to index
    %swap3A_67 = arith.constant 0 : index
    %swap3A_68 = tpu.vector_load %arg9[%swap3A_66, %swap3A_67] {strides = array<i32>} : memref<2x16xf32, #tpu.memory_space<vmem>>, vector<16xf32>,
    tpu.vector_store %arg9[%swap3A_66, %swap3A_67], %parallel_loop3A_65#0 {strides = array<i32>} : memref<2x16xf32, #tpu.memory_space<vmem>>, vector<16xf32>,
    %swap3A_69 = arith.constant 1 : i32
    %swap3A_70 = arith.index_cast %swap3A_69 : i32 to index
    %swap3A_71 = arith.constant 0 : index
    %swap3A_72 = tpu.vector_load %arg9[%swap3A_70, %swap3A_71] {strides = array<i32>} : memref<2x16xf32, #tpu.memory_space<vmem>>, vector<16xf32>,
    tpu.vector_store %arg9[%swap3A_70, %swap3A_71], %parallel_loop3A_65#1 {strides = array<i32>} : memref<2x16xf32, #tpu.memory_space<vmem>>, vector<16xf32>,
    "tpu.region"() ({
      %run_scoped3A = tpu.sem_alloc : memref<!tpu.dma_semaphore, #tpu.memory_space<semaphore_mem>>
      %dma_start3A = arith.constant 0 : i32
      %dma_start3A_73 = arith.constant 0 : i32
      %dma_start3A_74 = tpu.memref_slice %arg4[%arg1, %dma_start3A, %dma_start3A_73] : memref<16x2x16xf32, #tpu.memory_space<hbm>> -> memref<1x2x16xf32, #tpu.memory_space<hbm>>
      %dma_start3A_75 = tpu.memref_squeeze %dma_start3A_74 : memref<1x2x16xf32, #tpu.memory_space<hbm>> -> memref<2x16xf32, #tpu.memory_space<hbm>>
      %dma_start3A_76 = arith.constant 0 : i32
      %dma_start3A_77 = arith.constant 0 : i32
      %dma_start3A_78 = tpu.memref_slice %arg4[%arg1, %dma_start3A_76, %dma_start3A_77] : memref<16x2x16xf32, #tpu.memory_space<hbm>> -> memref<1x2x16xf32, #tpu.memory_space<hbm>>
      %dma_start3A_79 = tpu.memref_squeeze %dma_start3A_78 : memref<1x2x16xf32, #tpu.memory_space<hbm>> -> memref<2x16xf32, #tpu.memory_space<hbm>>
      tpu.enqueue_dma source(%arg9 : memref<2x16xf32, #tpu.memory_space<vmem>>) target(%dma_start3A_79 : memref<2x16xf32, #tpu.memory_space<hbm>>) target_semaphore(%run_scoped3A : memref<!tpu.dma_semaphore, #tpu.memory_space<semaphore_mem>>)
      %dma_wait3A = arith.constant 0 : i32
      %dma_wait3A_80 = arith.constant 0 : i32
      %dma_wait3A_81 = tpu.memref_slice %arg4[%arg1, %dma_wait3A, %dma_wait3A_80] : memref<16x2x16xf32, #tpu.memory_space<hbm>> -> memref<1x2x16xf32, #tpu.memory_space<hbm>>
      %dma_wait3A_82 = tpu.memref_squeeze %dma_wait3A_81 : memref<1x2x16xf32, #tpu.memory_space<hbm>> -> memref<2x16xf32, #tpu.memory_space<hbm>>
      %dma_wait3A_83 = arith.constant 0 : i32
      %dma_wait3A_84 = arith.constant 0 : i32
      %dma_wait3A_85 = tpu.memref_slice %arg4[%arg1, %dma_wait3A_83, %dma_wait3A_84] : memref<16x2x16xf32, #tpu.memory_space<hbm>> -> memref<1x2x16xf32, #tpu.memory_space<hbm>>
      %dma_wait3A_86 = tpu.memref_squeeze %dma_wait3A_85 : memref<1x2x16xf32, #tpu.memory_space<hbm>> -> memref<2x16xf32, #tpu.memory_space<hbm>>
      tpu.wait_dma2 semaphore(%run_scoped3A : memref<!tpu.dma_semaphore, #tpu.memory_space<semaphore_mem>>) src(%arg9 : memref<2x16xf32, #tpu.memory_space<vmem>>) dst(%dma_wait3A_86 : memref<2x16xf32, #tpu.memory_space<hbm>>)
      tpu.yield
    }) : () -> ()
    return
  }
}

module attributes {stable_mosaic.version = 14 : i64} {
  func.func @_fin_body(%arg0: memref<1x2xf32, #tpu.memory_space<vmem>>, %arg1: memref<16x2x16xf32, #tpu.memory_space<vmem>>, %arg2: memref<1x1xf32, #tpu.memory_space<vmem>>) attributes {dimension_semantics = [], scalar_prefetch = 0 : i64, scratch_operands = 0 : i64, tpu.core_type = #tpu.core_type<tc>} {
    %get3A = arith.constant 0 : index
    %get3A_0 = arith.constant 0 : index
    %get3A_1 = arith.constant 0 : index
    %get3A_2 = vector.load %arg1[%get3A, %get3A_0, %get3A_1] : memref<16x2x16xf32, #tpu.memory_space<vmem>>, vector<16x2x16xf32>
    %get3A_3 = arith.constant 0 : index
    %get3A_4 = arith.constant 0 : index
    %get3A_5 = vector.load %arg0[%get3A_3, %get3A_4] : memref<1x2xf32, #tpu.memory_space<vmem>>, vector<1x2xf32>
    %slice3A = vector.extract_strided_slice %get3A_2 {offsets = [0, 0, 0], sizes = [16, 1, 16], strides = [1, 1, 1]} : vector<16x2x16xf32> to vector<16x1x16xf32>
    %squeeze3A = vector.shape_cast %slice3A : vector<16x1x16xf32> to vector<16x16xf32>
    %reduce_sum3A = vector.shape_cast %squeeze3A : vector<16x16xf32> to vector<1x16x16xf32>
    %reduce_sum3A_6 = arith.constant dense<0.000000e+00> : vector<1xf32>
    %reduce_sum3A_7 = vector.multi_reduction <add>, %reduce_sum3A, %reduce_sum3A_6 [1, 2] : vector<1x16x16xf32> to vector<1xf32>
    %reduce_sum3A_8 = vector.shape_cast %reduce_sum3A_7 : vector<1xf32> to vector<1x1x1xf32>
    %reduce_sum3A_9 = vector.extract %reduce_sum3A_8[0, 0, 0] : f32 from vector<1x1x1xf32>
    %slice3A_10 = vector.extract_strided_slice %get3A_5 {offsets = [0, 0], sizes = [1, 1], strides = [1, 1]} : vector<1x2xf32> to vector<1x1xf32>
    %squeeze3A_11 = vector.extract %slice3A_10[0, 0] : f32 from vector<1x1xf32>
    %add3A = arith.addf %reduce_sum3A_9, %squeeze3A_11 : f32
    %slice3A_12 = vector.extract_strided_slice %get3A_2 {offsets = [0, 1, 0], sizes = [16, 1, 16], strides = [1, 1, 1]} : vector<16x2x16xf32> to vector<16x1x16xf32>
    %squeeze3A_13 = vector.shape_cast %slice3A_12 : vector<16x1x16xf32> to vector<16x16xf32>
    %reduce_sum3A_14 = vector.shape_cast %squeeze3A_13 : vector<16x16xf32> to vector<1x16x16xf32>
    %reduce_sum3A_15 = arith.constant dense<0.000000e+00> : vector<1xf32>
    %reduce_sum3A_16 = vector.multi_reduction <add>, %reduce_sum3A_14, %reduce_sum3A_15 [1, 2] : vector<1x16x16xf32> to vector<1xf32>
    %reduce_sum3A_17 = vector.shape_cast %reduce_sum3A_16 : vector<1xf32> to vector<1x1x1xf32>
    %reduce_sum3A_18 = vector.extract %reduce_sum3A_17[0, 0, 0] : f32 from vector<1x1x1xf32>
    %slice3A_19 = vector.extract_strided_slice %get3A_5 {offsets = [0, 1], sizes = [1, 1], strides = [1, 1]} : vector<1x2xf32> to vector<1x1xf32>
    %squeeze3A_20 = vector.extract %slice3A_19[0, 0] : f32 from vector<1x1xf32>
    %add3A_21 = arith.addf %reduce_sum3A_18, %squeeze3A_20 : f32
    %max3A = arith.constant 1.000000e+00 : f32
    %max3A_22 = arith.maximumf %add3A_21, %max3A : f32
    %div3A = arith.divf %add3A, %max3A_22 : f32
    %broadcast_in_dim3A = vector.broadcast %div3A : f32 to vector<1x1xf32>
    %swap3A = arith.constant 0 : index
    %swap3A_23 = arith.constant 0 : index
    %swap3A_24 = vector.load %arg2[%swap3A, %swap3A_23] : memref<1x1xf32, #tpu.memory_space<vmem>>, vector<1x1xf32>
    tpu.vector_store %arg2[%swap3A, %swap3A_23], %broadcast_in_dim3A {strides = array<i32>} : memref<1x1xf32, #tpu.memory_space<vmem>>, vector<1x1xf32>,
    return
  }
}

module attributes {stable_mosaic.version = 14 : i64} {
  func.func @_tc_body(%arg0: i32, %arg1: memref<896x1xf32, #tpu.memory_space<vmem>>, %arg2: memref<896x1xf32, #tpu.memory_space<vmem>>, %arg3: memref<1x2048xf32, #tpu.memory_space<vmem>>, %arg4: memref<1x2048xf32, #tpu.memory_space<vmem>>, %arg5: memref<1x2xf32, #tpu.memory_space<vmem>>, %arg6: memref<2xf32, #tpu.memory_space<smem>>) attributes {dimension_semantics = [#tpu.dimension_semantics<arbitrary>], iteration_bounds = array<i64: 2>, scalar_prefetch = 0 : i64, scratch_operands = 1 : i64, tpu.core_type = #tpu.core_type<tc>, window_params = [{transform_indices = @transform_0, window_bounds = array<i64: 896, 1>}, {transform_indices = @transform_1, window_bounds = array<i64: 896, 1>}, {pipeline_mode = #tpu.pipeline_mode<synchronous>, transform_indices = @transform_2, window_bounds = array<i64: 1, 2048>}, {pipeline_mode = #tpu.pipeline_mode<synchronous>, transform_indices = @transform_3, window_bounds = array<i64: 1, 2048>}, {pipeline_mode = #tpu.pipeline_mode<synchronous>, transform_indices = @transform_4, window_bounds = array<i64: 1, 2>}]} {
    %eq3A = arith.constant 0 : i32
    %eq3A_0 = arith.cmpi eq, %arg0, %eq3A : i32
    %convert_element_type3A = arith.extui %eq3A_0 : i1 to i32
    %cond3A = arith.constant 0 : i32
    %cond3A_1 = arith.cmpi ne, %convert_element_type3A, %cond3A : i32
    scf.if %cond3A_1 {
      %swap3A_61 = arith.constant 0.000000e+00 : f32
      %swap3A_62 = arith.constant 0 : index
      %swap3A_63 = memref.load %arg6[%swap3A_62] : memref<2xf32, #tpu.memory_space<smem>>
      memref.store %swap3A_61, %arg6[%swap3A_62] : memref<2xf32, #tpu.memory_space<smem>>
      %swap3A_64 = arith.constant 0.000000e+00 : f32
      %swap3A_65 = arith.constant 1 : index
      %swap3A_66 = memref.load %arg6[%swap3A_65] : memref<2xf32, #tpu.memory_space<smem>>
      memref.store %swap3A_64, %arg6[%swap3A_65] : memref<2xf32, #tpu.memory_space<smem>>
    } else {
    }
    %get3A = arith.constant 0 : index
    %get3A_2 = arith.constant 0 : index
    %get3A_3 = vector.load %arg1[%get3A, %get3A_2] : memref<896x1xf32, #tpu.memory_space<vmem>>, vector<896x1xf32>
    %get3A_4 = arith.constant 0 : index
    %get3A_5 = arith.constant 0 : index
    %get3A_6 = vector.load %arg2[%get3A_4, %get3A_5] : memref<896x1xf32, #tpu.memory_space<vmem>>, vector<896x1xf32>
    %get3A_7 = arith.constant 0 : index
    %get3A_8 = arith.constant 0 : index
    %get3A_9 = vector.load %arg3[%get3A_7, %get3A_8] : memref<1x2048xf32, #tpu.memory_space<vmem>>, vector<1x2048xf32>
    %get3A_10 = arith.constant 0 : index
    %get3A_11 = arith.constant 0 : index
    %get3A_12 = vector.load %arg4[%get3A_10, %get3A_11] : memref<1x2048xf32, #tpu.memory_space<vmem>>, vector<1x2048xf32>
    %sub3A = vector.broadcast %get3A_6 : vector<896x1xf32> to vector<896x2048xf32>
    %sub3A_13 = vector.broadcast %get3A_12 : vector<1x2048xf32> to vector<896x2048xf32>
    %sub3A_14 = arith.subf %sub3A, %sub3A_13 : vector<896x2048xf32>
    %sub3A_15 = vector.broadcast %get3A_3 : vector<896x1xf32> to vector<896x2048xf32>
    %sub3A_16 = vector.broadcast %get3A_9 : vector<1x2048xf32> to vector<896x2048xf32>
    %sub3A_17 = arith.subf %sub3A_15, %sub3A_16 : vector<896x2048xf32>
    %sign3A = tpu.bitcast %sub3A_14 : vector<896x2048xf32> -> vector<896x2048xi32>
    %sign3A_18 = arith.constant -2147483648 : i32
    %sign3A_19 = vector.broadcast %sign3A_18 : i32 to vector<896x2048xi32>
    %sign3A_20 = arith.andi %sign3A, %sign3A_19 : vector<896x2048xi32>
    %sign3A_21 = arith.constant 1065353216 : i32
    %sign3A_22 = vector.broadcast %sign3A_21 : i32 to vector<896x2048xi32>
    %sign3A_23 = arith.ori %sign3A_22, %sign3A_20 : vector<896x2048xi32>
    %sign3A_24 = tpu.bitcast %sign3A_23 : vector<896x2048xi32> -> vector<896x2048xf32>
    %sign3A_25 = math.absf %sub3A_14 : vector<896x2048xf32>
    %sign3A_26 = arith.constant 0.000000e+00 : f32
    %sign3A_27 = vector.broadcast %sign3A_26 : f32 to vector<896x2048xf32>
    %sign3A_28 = arith.cmpf ogt, %sign3A_25, %sign3A_27 : vector<896x2048xf32>
    %sign3A_29 = arith.select %sign3A_28, %sign3A_24, %sub3A_14 : vector<896x2048xi1>, vector<896x2048xf32>
    %mul3A = arith.mulf %sign3A_29, %sub3A_17 : vector<896x2048xf32>
    %sub3A_30 = arith.constant 1.000000e-01 : f32
    %sub3A_31 = vector.broadcast %sub3A_30 : f32 to vector<896x2048xf32>
    %sub3A_32 = arith.subf %sub3A_31, %mul3A : vector<896x2048xf32>
    %max3A = arith.constant 0.000000e+00 : f32
    %max3A_33 = vector.broadcast %max3A : f32 to vector<896x2048xf32>
    %max3A_34 = arith.maximumf %max3A_33, %sub3A_32 : vector<896x2048xf32>
    %ne3A = arith.constant 0.000000e+00 : f32
    %ne3A_35 = vector.broadcast %ne3A : f32 to vector<896x2048xf32>
    %ne3A_36 = arith.cmpf one, %sub3A_14, %ne3A_35 : vector<896x2048xf32>
    %get3A_37 = arith.constant 0 : index
    %get3A_38 = memref.load %arg6[%get3A_37] : memref<2xf32, #tpu.memory_space<smem>>
    %jit3A = arith.constant 0.000000e+00 : f32
    %broadcast_in_dim3A = vector.broadcast %jit3A : f32 to vector<896x2048xf32>
    %select_n3A = arith.select %ne3A_36, %max3A_34, %broadcast_in_dim3A : vector<896x2048xi1>, vector<896x2048xf32>
    %reduce_sum3A = vector.shape_cast %select_n3A : vector<896x2048xf32> to vector<1x896x2048xf32>
    %reduce_sum3A_39 = arith.constant dense<0.000000e+00> : vector<1xf32>
    %reduce_sum3A_40 = vector.multi_reduction <add>, %reduce_sum3A, %reduce_sum3A_39 [1, 2] : vector<1x896x2048xf32> to vector<1xf32>
    %reduce_sum3A_41 = vector.shape_cast %reduce_sum3A_40 : vector<1xf32> to vector<1x1x1xf32>
    %reduce_sum3A_42 = vector.extract %reduce_sum3A_41[0, 0, 0] : f32 from vector<1x1x1xf32>
    %add3A = arith.addf %get3A_38, %reduce_sum3A_42 : f32
    %swap3A = arith.constant 0 : index
    %swap3A_43 = memref.load %arg6[%swap3A] : memref<2xf32, #tpu.memory_space<smem>>
    memref.store %add3A, %arg6[%swap3A] : memref<2xf32, #tpu.memory_space<smem>>
    %get3A_44 = arith.constant 1 : index
    %get3A_45 = memref.load %arg6[%get3A_44] : memref<2xf32, #tpu.memory_space<smem>>
    %convert_element_type3A_46 = arith.extui %ne3A_36 : vector<896x2048xi1> to vector<896x2048xi32>
    %convert_element_type3A_47 = arith.sitofp %convert_element_type3A_46 : vector<896x2048xi32> to vector<896x2048xf32>
    %reduce_sum3A_48 = vector.shape_cast %convert_element_type3A_47 : vector<896x2048xf32> to vector<1x896x2048xf32>
    %reduce_sum3A_49 = arith.constant dense<0.000000e+00> : vector<1xf32>
    %reduce_sum3A_50 = vector.multi_reduction <add>, %reduce_sum3A_48, %reduce_sum3A_49 [1, 2] : vector<1x896x2048xf32> to vector<1xf32>
    %reduce_sum3A_51 = vector.shape_cast %reduce_sum3A_50 : vector<1xf32> to vector<1x1x1xf32>
    %reduce_sum3A_52 = vector.extract %reduce_sum3A_51[0, 0, 0] : f32 from vector<1x1x1xf32>
    %add3A_53 = arith.addf %get3A_45, %reduce_sum3A_52 : f32
    %swap3A_54 = arith.constant 1 : index
    %swap3A_55 = memref.load %arg6[%swap3A_54] : memref<2xf32, #tpu.memory_space<smem>>
    memref.store %add3A_53, %arg6[%swap3A_54] : memref<2xf32, #tpu.memory_space<smem>>
    %eq3A_56 = arith.constant 1 : i32
    %eq3A_57 = arith.cmpi eq, %arg0, %eq3A_56 : i32
    %convert_element_type3A_58 = arith.extui %eq3A_57 : i1 to i32
    %cond3A_59 = arith.constant 0 : i32
    %cond3A_60 = arith.cmpi ne, %convert_element_type3A_58, %cond3A_59 : i32
    scf.if %cond3A_60 {
      %get3A_61 = arith.constant 0 : index
      %get3A_62 = memref.load %arg6[%get3A_61] : memref<2xf32, #tpu.memory_space<smem>>
      %get3A_63 = arith.constant 1 : index
      %get3A_64 = memref.load %arg6[%get3A_63] : memref<2xf32, #tpu.memory_space<smem>>
      %stack3A = vector.broadcast %get3A_62 : f32 to vector<1xf32>
      %stack3A_65 = vector.broadcast %get3A_64 : f32 to vector<1xf32>
      %stack3A_66 = tpu.concatenate %stack3A, %stack3A_65 in 0 : vector<1xf32>, vector<1xf32> -> vector<2xf32>
      %reshape3A = vector.shape_cast %stack3A_66 : vector<2xf32> to vector<1x2xf32>
      %swap3A_67 = arith.constant 0 : index
      %swap3A_68 = arith.constant 0 : index
      %swap3A_69 = vector.load %arg5[%swap3A_67, %swap3A_68] : memref<1x2xf32, #tpu.memory_space<vmem>>, vector<1x2xf32>
      tpu.vector_store %arg5[%swap3A_67, %swap3A_68], %reshape3A {strides = array<i32>} : memref<1x2xf32, #tpu.memory_space<vmem>>, vector<1x2xf32>,
    } else {
    }
    return
  }
  func.func @transform_0(%arg0: i32) -> (i32, i32) {
    %c0_i32 = arith.constant 0 : i32
    %c0_i32_0 = arith.constant 0 : i32
    return %arg0, %c0_i32 : i32, i32
  }
  func.func @transform_1(%arg0: i32) -> (i32, i32) {
    %c0_i32 = arith.constant 0 : i32
    %c0_i32_0 = arith.constant 0 : i32
    return %arg0, %c0_i32 : i32, i32
  }
  func.func @transform_2(%arg0: i32) -> (i32, i32) {
    %c0_i32 = arith.constant 0 : i32
    %c0_i32_0 = arith.constant 0 : i32
    %c0_i32_1 = arith.constant 0 : i32
    return %c0_i32, %c0_i32_0 : i32, i32
  }
  func.func @transform_3(%arg0: i32) -> (i32, i32) {
    %c0_i32 = arith.constant 0 : i32
    %c0_i32_0 = arith.constant 0 : i32
    %c0_i32_1 = arith.constant 0 : i32
    return %c0_i32, %c0_i32_0 : i32, i32
  }
  func.func @transform_4(%arg0: i32) -> (i32, i32) {
    %c0_i32 = arith.constant 0 : i32
    %c0_i32_0 = arith.constant 0 : i32
    %c0_i32_1 = arith.constant 0 : i32
    return %c0_i32, %c0_i32_0 : i32, i32
  }
}

</mosaic_0001>

<sc_bundles>
// kernel: kernel.5.cloned.1.call-start
scs
__scs_entry_jumppad:
0x0: {  	(pc) =	sbr.rel $0x88, $3  }
0x1: {  	(tag) =	ssettag $0x0;
	lr =	simm.s32 $0x1  }
0x2: {  	[smem:$0x3F9F] =	sst lr;
	_ =	strace $0xD0000000  }
0x3: {  	_ = 	snop  }
0x4: {  	_ = 	snop  }
0x5: {  	_ = 	snop  }
0x6: {  	_ = 	snop  }
0x7: {  	_ = 	snop  }
__scs_overlays_trampoline_lowered:
0x8: {  	[smem:$0x3FAE] =	sst s0  }
0x9: {  	[smem:$0x3FAF] =	sst s1  }
0xa: {  	[smem:$0x3FB0] =	sst s2  }
0xb: {  	[smem:$0x3FB1] =	sst s3  }
0xc: {  	[smem:$0x3FB2] =	sst s4  }
0xd: {  	[smem:$0x3FB3] =	sst s5  }
0xe: {  	[smem:$0x3FB4] =	sst s6  }
0xf: {  	[smem:$0x3FB5] =	sst s7  }
0x10: {  	[smem:$0x3FB6] =	sst s8  }
0x11: {  	[smem:$0x3FB7] =	sst s9;
	s0 =	simm.s32 @!p0 $0x0  }
0x12: {  	s1 =	sld [smem:$0x3F9D];
	s0 =	simm.s32 @p0 $0x1  }
0x13: {  	[smem:$0x3FB8] =	sst s0;
	s0 =	simm.s32 @!p1 $0x0  }
0x14: {  	s2 =	sld [smem:$0x3F9C];
	s0 =	simm.s32 @p1 $0x1  }
0x15: {  	[smem:$0x3FB9] =	sst s0;
	s0 =	simm.s32 @!p2 $0x0  }
0x16: {  	s3 =	sld [smem:$0x3FDB];
	s0 =	simm.s32 @p2 $0x1  }
0x17: {  	s4 =	simm.s32 $0x1BF5;
	[smem:$0x3FBB] =	sst s0  }
0x18: {  	s0 =	sld [smem:$0x3F9E];
	_ =	swait.ge [sflag:s4], $0x0  }
0x19: {  	s7 =	sld [smem:$0x3F9F]  }
0x1a: {  	s8 =	sadd.s32 $0xFFFFE003, lr  }
0x1b: {  	s9 =	sadd.s32 $0xFFFFFEF7, lr;
	s5 =	simm.s32 $0xFFFFFFFF;
	p2 =	slt.u32 s8, $0xFFFFF086  }
0x1c: {  	p1 =	slt.u32 s9, $0xF7A;
	s5 =	simm.s32 @!p2 $0x0  }
0x1d: {  	s5 =	simm.s32 @p1 $0x1;
	p0 =	seq.s32 s7, s2  }
0x1e: {  	s7 =	smul.u32 @!p0 $0xF7A, s2;
	p2 =	seq.s32 @!p0 s5, $0x0  }
0x1f: {  	s9 =	smul.u32 $0xF7A, s1;
	s8 =	simm.s32 @!p0 $0x1BF5;
	p2 =	por !p2, p0  }
0x20: {  	[sflag:s8] =	ssyncset.s32 @!p0 $0xFFFFF086;
	s6 =	sadd.s32 @!p0 s3, s7;
	s7 =	simm.s32 @!p0 $0x108  }
0x21: {  	s3 =	sadd.s32 s3, s9;
	s6 =	sadd.s32 @!p0 $0x88, s6;
	s7 =	simm.s32 @p2 $0x1082  }
0x22: {  	[simem:s7], [sflag:s8] =	dma.local @!p0 [hbm:s6], $0xF7A  }
0x23: {  	s9 =	sor.u32 $0xD0000000, s2;
	s6 =	simm.s32 $0x108;
	_ =	swait.ge @!p0 [sflag:s8], $0x0  }
0x24: {  	s3 =	sadd.s32 $0x88, s3;
	s6 =	simm.s32 @!p1 $0x1082;
	[sflag:s4] =	ssyncset.s32 $0xFFFFF086  }
0x25: {  	[simem:s6], [sflag:s4] =	dma.local [hbm:s3], $0xF7A  }
0x26: {  	[smem:$0x3F9F] =	sst s1;
	(tag) =	ssettag s2;
	_ =	strace s9  }
0x27: {  	s1 =	sld [smem:$0x3FAF]  }
0x28: {  	s2 =	sld [smem:$0x3FB0]  }
0x29: {  	s4 =	sld [smem:$0x3FB2]  }
0x2a: {  	p0 =	seq.s32 s5, $0x0;
	s5 =	sld [smem:$0x3FB3]  }
0x2b: {  	s6 =	sld [smem:$0x3FB4]  }
0x2c: {  	s7 =	sld [smem:$0x3FB5]  }
0x2d: {  	s3 =	simm.s32 $0x108;
	s8 =	sld [smem:$0x3FB6]  }
0x2e: {  	s3 =	simm.s32 @!p0 $0x1082;
	s9 =	sld [smem:$0x3FB7]  }
0x2f: {  	lr =	sadd.s32 s0, s3;
	s0 =	sld [smem:$0x3FAE]  }
0x30: {  	s3 =	sld [smem:$0x3FB1]  }
0x31: {  	[smem:$0x3FBA] =	sst s10  }
0x32: {  	s10 =	sld [smem:$0x3FB8];
	_ =	sdelay $0x3  }
0x33: {  	p0 =	seq.s32 s10, $0x1;
	s10 =	sld [smem:$0x3FBA];
	_ =	sdelay $0x3  }
0x34: {  	[smem:$0x3FBA] =	sst s10  }
0x35: {  	s10 =	sld [smem:$0x3FB9];
	_ =	sdelay $0x3  }
0x36: {  	p1 =	seq.s32 s10, $0x1;
	s10 =	sld [smem:$0x3FBA];
	_ =	sdelay $0x3  }
0x37: {  	[smem:$0x3FBA] =	sst s10  }
0x38: {  	s10 =	sld [smem:$0x3FBB]  }
0x39: {  	_ = 	snop;
	(pc) =	sbr.ind lr, $3  }
0x3a: {  	_ = 	snop  }
0x3b: {  	_ = 	snop  }
0x3c: {  	p2 =	seq.s32 s10, $0x1;
	s10 =	sld [smem:$0x3FBA]  }
0x3d: {  	_ =	shalt  }
0x3e: {  	_ =	shalt  }
0x3f: {  	_ =	shalt  }
0x40: {  	_ =	shalt  }
0x41: {  	_ =	shalt  }
0x42: {  	_ =	shalt  }
0x43: {  	_ =	shalt  }
0x44: {  	_ =	shalt  }
0x45: {  	_ =	shalt  }
0x46: {  	_ =	shalt  }
0x47: {  	_ =	shalt  }
0x48: {  	_ =	shalt  }
0x49: {  	_ =	shalt  }
0x4a: {  	_ =	shalt  }
0x4b: {  	_ =	shalt  }
0x4c: {  	_ =	shalt  }
0x4d: {  	_ =	shalt  }
0x4e: {  	_ =	shalt  }
0x4f: {  	_ =	shalt  }
0x50: {  	_ =	shalt  }
0x51: {  	_ =	shalt  }
0x52: {  	_ =	shalt  }
0x53: {  	_ =	shalt  }
0x54: {  	_ =	shalt  }
0x55: {  	_ =	shalt  }
0x56: {  	_ =	shalt  }
0x57: {  	_ =	shalt  }
0x58: {  	_ =	shalt  }
0x59: {  	_ =	shalt  }
0x5a: {  	_ =	shalt  }
0x5b: {  	_ =	shalt  }
0x5c: {  	_ =	shalt  }
0x5d: {  	_ =	shalt  }
0x5e: {  	_ =	shalt  }
0x5f: {  	_ =	shalt  }
0x60: {  	_ =	shalt  }
0x61: {  	_ =	shalt  }
0x62: {  	_ =	shalt  }
0x63: {  	_ =	shalt  }
0x64: {  	_ =	shalt  }
0x65: {  	_ =	shalt  }
0x66: {  	_ =	shalt  }
0x67: {  	_ =	shalt  }
0x68: {  	_ =	shalt  }
0x69: {  	_ =	shalt  }
0x6a: {  	_ =	shalt  }
0x6b: {  	_ =	shalt  }
0x6c: {  	_ =	shalt  }
0x6d: {  	_ =	shalt  }
0x6e: {  	_ =	shalt  }
0x6f: {  	_ =	shalt  }
0x70: {  	_ =	shalt  }
0x71: {  	_ =	shalt  }
0x72: {  	_ =	shalt  }
0x73: {  	_ =	shalt  }
0x74: {  	_ =	shalt  }
0x75: {  	_ =	shalt  }
0x76: {  	_ =	shalt  }
0x77: {  	_ =	shalt  }
0x78: {  	_ =	shalt  }
0x79: {  	_ =	shalt  }
0x7a: {  	_ =	shalt  }
0x7b: {  	_ =	shalt  }
0x7c: {  	_ =	shalt  }
0x7d: {  	_ =	shalt  }
0x7e: {  	_ =	shalt  }
0x7f: {  	_ =	shalt  }
0x80: {  	_ =	shalt  }
0x81: {  	_ =	shalt  }
0x82: {  	_ =	shalt  }
0x83: {  	_ =	shalt  }
0x84: {  	_ =	shalt  }
0x85: {  	_ =	shalt  }
0x86: {  	_ =	shalt  }
0x87: {  	_ =	shalt  }
.Lfunc_end0:
.L_simem_size_0:
called_computation_lowered:
.L_overlay_start_0:
0x88: {  	s0 =	sld [smem:$0x3FD9]  }
0x89: {  	s1 =	sld [smem:$0x3FFE];
	_ =	sdelay $0x3  }
0x8a: {  	s0 =	sadd.s32 s1, s0  }
0x8b: {  	[smem:$0x3FC6] =	sst s0  }
0x8c: {  	_ = 	snop  }
0x8d: {  	s0 =	sld [smem:$0x3FC9]  }
0x8e: {  	s16 =	sld [smem:$0x3FC8];
	(tm) =	ssettm $0x1  }
0x8f: {  	s2 =	sld [smem:$0x3FFB];
	_ =	sdelay $0x3  }
0x90: {  	_ =	strace s2  }
0x91: {  	s2 =	sld [smem:$0x3FFC];
	_ =	sdelay $0x3  }
0x92: {  	_ =	strace s2  }
0x93: {  	s2 =	sld [smem:$0x3FFD];
	_ =	sdelay $0x3  }
0x94: {  	_ =	strace s2  }
0x95: {  	_ =	strace $0x8FFFFFFF  }
0x96: {  	s17 =	sld [smem:$0x3FDB];
	_ =	sdelay $0x1  }
0x97: {  	s3 =	simm.s32 $_scs_section_size  }
0x98: {  	s4 =	simm.s32 $_size__tile_overlayer_lowered;
	s5 =	simm.s32 $_tile_overlayer_lowered  }
0x99: {  	s20 =	simm.s32 $0x1BFF;
	s19 =	sshll.u32 s5, $0x1;
	s2 =	sadd.s32 s3, s17  }
0x9a: {  	s6 =	simm.s32 $0x0;
	s18 =	sshll.u32 s4, $0x1;
	s4 =	sadd.s32 s19, s2  }
0x9b: {  	[timem:s6], [sflag:s20] =	dma.local [hbm:s4], s18  }
0x9c: {  	_ =	swait.ge [sflag:s20], s18  }
0x9d: {  	s3 =	ssub.s32 $0x0, s18;
	[sflag:s20] =	ssyncset.done $0x0  }
0x9e: {  	[sflag:s20] =	ssyncadd.s32 s3;
	_ =	sdelay $0x1  }
0x9f: {  	s21 =	simm.s32 $0x1B8B  }
0xa0: {  	_ =	swait.ge [sflag:s21], $0x1  }
0xa1: {  	[sflag:s21] =	ssyncset.done $0x0  }
0xa2: {  	s23 =	simm.s32 $0x1B8E;
	s22 =	sld [smem:$0x3FFE];
	[sflag:s21] =	ssyncadd.s32 $0xFFFFFFFF  }
0xa3: {  	s24 =	simm.s32 $execute0_lowered;
	[smem:$0x3FD2] =	sst s23  }
0xa4: {  	s4 =	sshll.u32 s24, $0x1;
	_ =	strace $0x80000046;
	[dreg:$0x1] =	wrdreg $0xFFFFFFFF  }
0xa5: {  	s25 =	simm.s32 $_size_execute0_lowered;
	s2 =	sadd.s32 s2, s4;
	[dreg:$0x0] =	wrdreg $0x0  }
0xa6: {  	s4 =	sshll.u32 s25, $0x1;
	[dreg:$0x2] =	wrdreg s2  }
0xa7: {  	[dreg:$0x3] =	wrdreg s4  }
0xa8: {  	[dreg:$0x4] =	wrdreg $0xC0  }
0xa9: {  	_ =	task [dreg:s6], $0x5FFFF  }
0xaa: {  	[dreg:$0x1] =	wrdreg $0xFFFFFFFF  }
0xab: {  	[dreg:$0x0] =	wrdreg $0x60  }
0xac: {  	[dreg:$0x2] =	wrdreg s0  }
0xad: {  	[dreg:$0x3] =	wrdreg s16  }
0xae: {  	[dreg:$0x4] =	wrdreg s22  }
0xaf: {  	[dreg:$0x5] =	wrdreg $0x9  }
0xb0: {  	_ =	task.clear_ibuf [dreg:s6], $0x6FFFF;
	_ =	strace $0x90000046  }
0xb1: {  	s26 =	simm.s32 $0x9;
	_ =	strace $0x80000048  }
0xb2: {  	_ =	swait.ge [sflag:s26], $0x1  }
0xb3: {  	[sflag:s26] =	ssyncadd.s32 $0xFFFFFFFF  }
0xb4: {  	_ =	strace $0x90000048  }
0xb5: {  	_ =	sfence  }
0xb6: {  	s28 =	sld [smem:$0x0];
	_ =	sdelay $0x1  }
0xb7: {  	s29 =	srdreg.scid  }
0xb8: {  	s30 =	sshll.u32 s29, $0xD;
	s31 =	sshrl.u32 s29, $0x2  }
0xb9: {  	s1 =	sand.u32 $0x1, s29;
	s2 =	sand.u32 $0x4000, s30;
	s0 =	sadd.s32 s31, s28  }
0xba: {  	s1 =	sor.u32 s2, s1;
	s0 =	sshll.u32 s0, $0x11  }
0xbb: {  	s0 =	sor.u32 s0, s1  }
0xbc: {  	s0 =	sadd.s32 $0x8F2B, s0  }
0xbd: {  	[sflag:s0] =	ssyncadd.remote.s32 $0x1  }
0xbe: {  	_ =	sfence.sel $0xFFFF  }
0xbf: {  	[dreg:$0x0] =	wrdreg $0xFFFFFFFF;
	(pc) =	sbr.abs _section_cstart, $3  }
0xc0: {  	[dreg:$0x1] =	wrdreg $0xFFFFFFFF  }
0xc1: {  	_ =	task.clear_ibuf [dreg:s6], $0x2FFFF;
	_ =	strace $0x9FFFFFFF  }
0xc2: {  	(tm) =	ssettm $0x7FFFFFFF  }
0xc3: {  	_ =	shalt  }
tec
execute0_lowered:
.L_overlay_start_1:
0x0: {  	(tag) =	ssettag $0x1  }
0x1: {  	s1 =	rddreg [dreg:$0x0]  }
0x2: {  	s4 =	rddreg [dreg:$0x1]  }
0x3: {  	s3 =	rddreg [dreg:$0x2];
	s2 =	simm.s32 $0x0  }
0x4: {  	[smem:$0x7FF] =	sst s2  }
0x5: {  	s0 =	rddreg [dreg:$0x3];
	s5 =	simm.s32 $0x1;
	_ =	strace $0x80000047  }
0x6: {  	[tilespmem:s2], [sflag:$0x1] =	stream.linear.gather [hbm4b:s1+s2], $0x800, $0x38;
	[tilespmem:$0x1300] =	vst v63  }
0x7: {  	_ =	swait.ge [sflag:s5], $0x800  }
0x8: {  	[sflag:s5] =	ssyncset.done $0x0  }
0x9: {  	s28 =	simm.s32 $0x800;
	[sflag:s5] =	ssyncadd.s32 $0xFFFFF800  }
0xa: {  	[tilespmem:s28], [sflag:$0x1] =	stream.linear.gather [hbm4b:s4+s2], $0x800, $0x38;
	[tilespmem:$0x1300] =	vst v63  }
0xb: {  	_ =	swait.ge [sflag:s5], $0x800  }
0xc: {  	v0 =	vlaneseq.u32;
	s1 =	stileid.u32;
	[sflag:s5] =	ssyncset.done $0x0  }
0xd: {  	v0 =	vmul.u32 $0x10, v0;
	s29 =	sshll.u32 s1, $0x4;
	[sflag:s5] =	ssyncadd.s32 $0xFFFFF800  }
0xe: {  	v1 =	vld [tilespmem:s29+$0x700]  }
0xf: {  	v2 =	vld [tilespmem:s29+$0xF00]  }
0x10: {  	v3 =	vor.u32 $0x1, v0;
	_ =	sdelay $0x1  }
0x11: {  	s30 =	simm.s32 $0x1000;
	v4 =	vor.u32 $0x2, v0  }
0x12: {  	s31 =	simm.s32 $0x1100;
	[tilespmem:v0+s30+$0x0] =	vst.idx.msk $0xffff, v1  }
0x13: {  	v5 =	vor.u32 $0x3, v0;
	[tilespmem:v0+s31+$0x0] =	vst.idx.msk $0xffff, v2  }
0x14: {  	[tilespmem:v3+s30+$0x0] =	vst.idx.msk $0xffff, v1  }
0x15: {  	[tilespmem:v3+s31+$0x0] =	vst.idx.msk $0xffff, v2;
	v3 =	vor.u32 $0x4, v0  }
0x16: {  	[tilespmem:v4+s30+$0x0] =	vst.idx.msk $0xffff, v1  }
0x17: {  	[tilespmem:v4+s31+$0x0] =	vst.idx.msk $0xffff, v2;
	v4 =	vor.u32 $0x5, v0  }
0x18: {  	[tilespmem:v5+s30+$0x0] =	vst.idx.msk $0xffff, v1  }
0x19: {  	[tilespmem:v5+s31+$0x0] =	vst.idx.msk $0xffff, v2;
	v5 =	vor.u32 $0x6, v0  }
0x1a: {  	[tilespmem:v3+s30+$0x0] =	vst.idx.msk $0xffff, v1  }
0x1b: {  	[tilespmem:v3+s31+$0x0] =	vst.idx.msk $0xffff, v2;
	v3 =	vor.u32 $0x7, v0  }
0x1c: {  	[tilespmem:v4+s30+$0x0] =	vst.idx.msk $0xffff, v1  }
0x1d: {  	[tilespmem:v4+s31+$0x0] =	vst.idx.msk $0xffff, v2;
	v4 =	vor.u32 $0x8, v0  }
0x1e: {  	[tilespmem:v5+s30+$0x0] =	vst.idx.msk $0xffff, v1  }
0x1f: {  	[tilespmem:v5+s31+$0x0] =	vst.idx.msk $0xffff, v2;
	v5 =	vor.u32 $0x9, v0  }
0x20: {  	[tilespmem:v3+s30+$0x0] =	vst.idx.msk $0xffff, v1  }
0x21: {  	[tilespmem:v3+s31+$0x0] =	vst.idx.msk $0xffff, v2;
	v3 =	vor.u32 $0xA, v0  }
0x22: {  	[tilespmem:v4+s30+$0x0] =	vst.idx.msk $0xffff, v1  }
0x23: {  	[tilespmem:v4+s31+$0x0] =	vst.idx.msk $0xffff, v2;
	v4 =	vor.u32 $0xB, v0  }
0x24: {  	[tilespmem:v5+s30+$0x0] =	vst.idx.msk $0xffff, v1  }
0x25: {  	[tilespmem:v5+s31+$0x0] =	vst.idx.msk $0xffff, v2;
	v5 =	vor.u32 $0xC, v0  }
0x26: {  	[tilespmem:v3+s30+$0x0] =	vst.idx.msk $0xffff, v1  }
0x27: {  	[tilespmem:v3+s31+$0x0] =	vst.idx.msk $0xffff, v2;
	v3 =	vor.u32 $0xD, v0  }
0x28: {  	[tilespmem:v4+s30+$0x0] =	vst.idx.msk $0xffff, v1  }
0x29: {  	[tilespmem:v4+s31+$0x0] =	vst.idx.msk $0xffff, v2;
	v4 =	vor.u32 $0xE, v0  }
0x2a: {  	[tilespmem:v5+s30+$0x0] =	vst.idx.msk $0xffff, v1  }
0x2b: {  	v0 =	vor.u32 $0xF, v0;
	[tilespmem:v5+s31+$0x0] =	vst.idx.msk $0xffff, v2  }
0x2c: {  	[tilespmem:v3+s30+$0x0] =	vst.idx.msk $0xffff, v1  }
0x2d: {  	[tilespmem:v3+s31+$0x0] =	vst.idx.msk $0xffff, v2  }
0x2e: {  	[tilespmem:v4+s30+$0x0] =	vst.idx.msk $0xffff, v1  }
0x2f: {  	[tilespmem:v4+s31+$0x0] =	vst.idx.msk $0xffff, v2  }
0x30: {  	[tilespmem:v0+s30+$0x0] =	vst.idx.msk $0xffff, v1  }
0x31: {  	s3 =	sadd.s32 $0xA00, s3;
	v5 =	vimm.f32 $0.0e+00;
	v4 =	vimm.f32 $0.0e+00;
	[tilespmem:v0+s31+$0x0] =	vst.idx.msk $0xffff, v2;
	v0 =	vimm.f32 $0.0e+00  }
.LBB2_1:
0x32: {  	v1 =	vld [tilespmem:s2+$0x1000]  }
0x33: {  	v2 =	vld [tilespmem:s2+$0x1100];
	s4 =	simm.s32 $0x40  }
0x34: {  	s5 =	simm.s32 $0x840;
	v3 =	vld [tilespmem:s4+$0xFFFFFFD0]  }
0x35: {  	v6 =	vld [tilespmem:s5+$0x20]  }
0x36: {  	v7 =	vld [tilespmem:s5+$0x10]  }
0x37: {  	v8 =	vld [tilespmem:s4+$0x10]  }
0x38: {  	v9 =	vld [tilespmem:s4+$0x20]  }
0x39: {  	v10 =	vld [tilespmem:s4+$0x0]  }
0x3a: {  	v11 =	vld [tilespmem:s5+$0x0]  }
0x3b: {  	v13 =	vld [tilespmem:s5+$0xFFFFFFE0]  }
0x3c: {  	v15 =	vld [tilespmem:s4+$0xFFFFFFF0]  }
0x3d: {  	v16 =	vld [tilespmem:s5+$0xFFFFFFD0];
	v12 =	vsub.f32 v1, v3  }
0x3e: {  	v6 =	vsub.f32 v2, v6;
	v8 =	vsub.f32 v1, v8  }
0x3f: {  	v7 =	vsub.f32 v2, v7;
	v10 =	vsub.f32 v1, v10  }
0x40: {  	v11 =	vsub.f32 v2, v11;
	v13 =	vsub.f32 v2, v13  }
0x41: {  	v15 =	vsub.f32 v1, v15;
	v20 =	vsub.f32 v1, v9  }
0x42: {  	v9 =	vsub.f32 v2, v16;
	v14 =	vsub.f32 $0.0e+00, v12  }
0x43: {  	v59 =	vld [tilespmem:s4+$0xFFFFFFE0];
	vm3 =	vlt.f32 v6, $0.0e+00;
	v17 =	vsub.f32 $0.0e+00, v8;
	vm2 =	vgt.f32 v6, $0.0e+00  }
0x44: {  	v3 =	vld [tilespmem:s5+$0xFFFFFFF0];
	vm0 =	vgt.f32 v7, $0.0e+00;
	vm1 =	vgt.f32 v11, $0.0e+00;
	vm6 =	vlt.f32 v7, $0.0e+00  }
0x45: {  	vm5 =	vgt.f32 v13, $0.0e+00;
	vm14 =	vgt.f32 v9, $0.0e+00;
	vm9 =	vlt.f32 v13, $0.0e+00  }
0x46: {  	v6 =	vld [tilespmem:s4+$0xFFFFFFC0];
	vm7 =	vlt.f32 v11, $0.0e+00;
	vm10 =	vlt.f32 v9, $0.0e+00;
	vm9 =	vmor vm5, vm9  }
0x47: {  	v18 =	vld [tilespmem:s5+$0xFFFFFFC0];
	vm3 =	vmor vm2, vm3;
	v8 =	vsel vm0, v8, v17;
	vm0 =	vmor vm0, vm6  }
0x48: {  	v11 =	vsel vm14, v12, v14;
	v12 =	vsub.f32 v1, v59;
	v14 =	vsub.f32 $0.0e+00, v20  }
0x49: {  	vm6 =	vmor vm14, vm10;
	v19 =	vsub.f32 v2, v3;
	v3 =	vsub.f32 $0.0e+00, v10  }
0x4a: {  	v13 =	vsel vm9, $0x3F800000, v0;
	v8 =	vsub.f32 $1.000000010e-01, v8;
	v11 =	vsub.f32 $1.000000010e-01, v11  }
0x4b: {  	vm4 =	vgt.f32 v19, $0.0e+00;
	v7 =	vsel vm1, v10, v3;
	v6 =	vsub.f32 v1, v6  }
0x4c: {  	v3 =	vmax.f32 v8, $0.0e+00;
	v8 =	vsub.f32 v2, v18;
	v10 =	vsub.f32 $0.0e+00, v15  }
0x4d: {  	vm1 =	vmor vm1, vm7;
	v11 =	vmax.f32 v11, $0.0e+00;
	v7 =	vsub.f32 $1.000000010e-01, v7  }
0x4e: {  	v11 =	vnsel vm6, $0x0, v11;
	v60 =	vsub.f32 $0.0e+00, v6;
	vm8 =	vgt.f32 v8, $0.0e+00  }
0x4f: {  	v9 =	vsel vm4, v15, v10;
	vm15 =	vlt.f32 v8, $0.0e+00;
	v8 =	vsub.f32 $0.0e+00, v12  }
0x50: {  	v10 =	vsel vm6, $0x3F800000, v0;
	v15 =	vld [tilespmem:s5+$0x30];
	v9 =	vsub.f32 $1.000000010e-01, v9;
	v6 =	vsel vm8, v6, v60  }
0x51: {  	vm7 =	vmor vm8, vm15;
	v7 =	vmax.f32 v7, $0.0e+00;
	v6 =	vsub.f32 $1.000000010e-01, v6  }
0x52: {  	v61 =	vsel vm7, $0x3F800000, v0;
	v8 =	vsel vm5, v12, v8;
	vm5 =	vlt.f32 v19, $0.0e+00  }
0x53: {  	v62 =	vld [tilespmem:s4+$0x30];
	v8 =	vsub.f32 $1.000000010e-01, v8;
	v12 =	vadd.f32 v61, v5;
	v6 =	vmax.f32 v6, $0.0e+00  }
0x54: {  	v5 =	vnsel vm1, $0x0, v7;
	vm4 =	vmor vm4, vm5;
	v6 =	vnsel vm7, $0x0, v6  }
0x55: {  	v7 =	vsub.f32 v2, v15;
	v6 =	vadd.f32 v6, v4;
	v4 =	vmax.f32 v8, $0.0e+00  }
0x56: {  	v8 =	vadd.f32 v10, v12;
	v63 =	vnsel vm9, $0x0, v4;
	v4 =	vsel vm0, $0x3F800000, v0  }
0x57: {  	v6 =	vadd.f32 v11, v6;
	v11 =	vmax.f32 v9, $0.0e+00;
	v9 =	vsel vm4, $0x3F800000, v0  }
0x58: {  	v10 =	vadd.f32 v13, v8;
	v8 =	vsub.f32 v1, v62;
	v13 =	vsel vm2, v20, v14  }
0x59: {  	s6 =	simm.s32 $0x8C0;
	s4 =	simm.s32 $0x0;
	s5 =	simm.s32 $0xC0;
	v11 =	vnsel vm4, $0x0, v11;
	v12 =	vadd.f32 v63, v6;
	v6 =	vsel vm3, $0x3F800000, v0  }
.LBB2_2:
0x5a: {  	v14 =	vld [tilespmem:s5+$0xFFFFFFD0];
	s4 =	sadd.s32 $0x80, s4;
	v13 =	vsub.f32 $1.000000010e-01, v13;
	v15 =	vsub.f32 $0.0e+00, v8;
	vm2 =	vlt.f32 v7, $0.0e+00  }
0x5b: {  	v9 =	vadd.f32 v9, v10;
	vm4 =	vgt.f32 v7, $0.0e+00;
	v16 =	vld [tilespmem:s6+$0x20];
	p0 =	slt.u32 s4, $0x780;
	v11 =	vadd.f32 v11, v12  }
0x5c: {  	v10 =	vsel vm1, $0x3F800000, v0;
	v7 =	vld [tilespmem:s6+$0x10];
	v12 =	vmax.f32 v13, $0.0e+00;
	v8 =	vsel vm4, v8, v15  }
0x5d: {  	v9 =	vadd.f32 v10, v9;
	v13 =	vld [tilespmem:s5+$0x10];
	v5 =	vadd.f32 v5, v11;
	v10 =	vnsel vm3, $0x0, v12  }
0x5e: {  	v3 =	vnsel vm0, $0x0, v3;
	vm0 =	vmor vm4, vm2;
	v8 =	vsub.f32 $1.000000010e-01, v8;
	v11 =	vld [tilespmem:s5+$0x20]  }
0x5f: {  	v12 =	vsub.f32 v1, v14;
	v14 =	vld [tilespmem:s5+$0x0];
	v3 =	vadd.f32 v3, v5;
	v5 =	vsel vm0, $0x3F800000, v0  }
0x60: {  	v4 =	vadd.f32 v4, v9;
	v8 =	vmax.f32 v8, $0.0e+00;
	v15 =	vld [tilespmem:s6+$0x0];
	v16 =	vsub.f32 v2, v16  }
0x61: {  	v8 =	vnsel vm0, $0x0, v8;
	v9 =	vsub.f32 $0.0e+00, v12;
	v17 =	vld [tilespmem:s6+$0xFFFFFFF0];
	v3 =	vadd.f32 v10, v3  }
0x62: {  	v4 =	vadd.f32 v6, v4;
	v10 =	vld [tilespmem:s6+$0xFFFFFFE0];
	v13 =	vsub.f32 v1, v13;
	vm3 =	vlt.f32 v16, $0.0e+00  }
0x63: {  	v7 =	vsub.f32 v2, v7;
	vm2 =	vgt.f32 v16, $0.0e+00;
	v6 =	vld [tilespmem:s5+$0xFFFFFFF0];
	v8 =	vadd.f32 v8, v3  }
0x64: {  	v3 =	vld [tilespmem:s6+$0xFFFFFFD0];
	v14 =	vsub.f32 v1, v14;
	v16 =	vsub.f32 $0.0e+00, v13  }
0x65: {  	v4 =	vadd.f32 v5, v4;
	vm0 =	vgt.f32 v7, $0.0e+00;
	v18 =	vld [tilespmem:s5+$0xFFFFFFC0];
	v15 =	vsub.f32 v2, v15  }
0x66: {  	v5 =	vld [tilespmem:s6+$0xFFFFFFC0];
	v17 =	vsub.f32 v2, v17;
	v19 =	vsub.f32 $0.0e+00, v14;
	v13 =	vsel vm0, v13, v16  }
0x67: {  	v10 =	vsub.f32 v2, v10;
	vm1 =	vgt.f32 v15, $0.0e+00;
	v13 =	vsub.f32 $1.000000010e-01, v13  }
0x68: {  	vm6 =	vlt.f32 v7, $0.0e+00;
	v16 =	vld [tilespmem:s5+$0xFFFFFFE0];
	v6 =	vsub.f32 v1, v6;
	vm4 =	vgt.f32 v17, $0.0e+00  }
0x69: {  	v7 =	vsel vm1, v14, v19;
	v14 =	vsub.f32 v1, v11;
	vm5 =	vgt.f32 v10, $0.0e+00  }
0x6a: {  	v11 =	vsub.f32 v1, v18;
	v18 =	vsub.f32 v2, v3;
	v3 =	vmax.f32 v13, $0.0e+00  }
0x6b: {  	vm0 =	vmor vm0, vm6;
	v13 =	vsub.f32 $0.0e+00, v6;
	v5 =	vsub.f32 v2, v5  }
0x6c: {  	vm8 =	vlt.f32 v15, $0.0e+00;
	v19 =	vsub.f32 $0.0e+00, v11;
	vm7 =	vgt.f32 v18, $0.0e+00  }
0x6d: {  	vm9 =	vgt.f32 v5, $0.0e+00;
	v9 =	vsel vm7, v12, v9;
	v12 =	vsub.f32 v1, v16  }
0x6e: {  	vm6 =	vlt.f32 v10, $0.0e+00;
	v11 =	vsel vm9, v11, v19;
	v9 =	vsub.f32 $1.000000010e-01, v9  }
0x6f: {  	vm10 =	vlt.f32 v18, $0.0e+00;
	v6 =	vsel vm4, v6, v13;
	v10 =	vsub.f32 $1.000000010e-01, v11  }
0x70: {  	vm1 =	vmor vm1, vm8;
	vm6 =	vmor vm5, vm6;
	v6 =	vsub.f32 $1.000000010e-01, v6  }
0x71: {  	vm8 =	vlt.f32 v5, $0.0e+00;
	vm7 =	vmor vm7, vm10;
	v5 =	vsub.f32 $0.0e+00, v12  }
0x72: {  	v7 =	vsub.f32 $1.000000010e-01, v7;
	v13 =	vsel vm6, $0x3F800000, v0;
	v11 =	vsel vm7, $0x3F800000, v0  }
0x73: {  	v15 =	vsub.f32 $0.0e+00, v14;
	vm8 =	vmor vm9, vm8;
	v9 =	vmax.f32 v9, $0.0e+00;
	v16 =	vld [tilespmem:s6+$0x30]  }
0x74: {  	v18 =	vsel vm8, $0x3F800000, v0;
	v10 =	vmax.f32 v10, $0.0e+00;
	v5 =	vsel vm5, v12, v5  }
0x75: {  	v10 =	vnsel vm8, $0x0, v10;
	v12 =	vsub.f32 $1.000000010e-01, v5;
	v5 =	vmax.f32 v7, $0.0e+00  }
0x76: {  	v4 =	vadd.f32 v18, v4;
	v9 =	vnsel vm7, $0x0, v9;
	v5 =	vnsel vm1, $0x0, v5;
	v18 =	vld [tilespmem:s5+$0x30]  }
0x77: {  	vm5 =	vlt.f32 v17, $0.0e+00;
	v8 =	vadd.f32 v10, v8;
	v7 =	vmax.f32 v12, $0.0e+00  }
.Ltmp0:
0x78: {  	vm3 =	vmor vm2, vm3;
	v12 =	vnsel vm6, $0x0, v7;
	v7 =	vsub.f32 v2, v16;
	(pc) =	sbr.rel @p0 .LBB2_2-.Ltmp0, $4  }
0x79: {  	vm4 =	vmor vm4, vm5;
	v10 =	vadd.f32 v11, v4;
	v4 =	vsel vm0, $0x3F800000, v0  }
0x7a: {  	v6 =	vmax.f32 v6, $0.0e+00;
	v16 =	vadd.f32 v9, v8;
	v9 =	vsel vm4, $0x3F800000, v0  }
0x7b: {  	v11 =	vnsel vm4, $0x0, v6;
	v10 =	vadd.f32 v13, v10;
	v8 =	vsub.f32 v1, v18  }
0x7c: {  	v6 =	vsel vm3, $0x3F800000, v0;
	s6 =	sadd.s32 $0x80, s6;
	v13 =	vsel vm2, v14, v15;
	s5 =	sadd.s32 $0x80, s5;
	v12 =	vadd.f32 v12, v16  }
0x7d: {  	v1 =	vsub.f32 $0.0e+00, v8  }
0x7e: {  	v9 =	vadd.f32 v9, v10;
	v2 =	vadd.f32 v11, v12  }
0x7f: {  	v62 =	vsub.f32 $1.000000010e-01, v13;
	vm2 =	vgt.f32 v7, $0.0e+00;
	v63 =	vsel vm1, $0x3F800000, v0  }
0x80: {  	v1 =	vsel vm2, v8, v1;
	v2 =	vadd.f32 v5, v2;
	v5 =	vadd.f32 v63, v9  }
0x81: {  	vm14 =	vlt.f32 v7, $0.0e+00;
	v3 =	vnsel vm0, $0x0, v3;
	p0 =	slt.u32 s2, $0xF0;
	v1 =	vsub.f32 $1.000000010e-01, v1  }
.Ltmp1:
0x82: {  	v7 =	vmax.f32 v62, $0.0e+00;
	v2 =	vadd.f32 v3, v2;
	v3 =	vadd.f32 v4, v5;
	(pc) =	sbr.rel @p0 .LBB2_1-.Ltmp1, $4  }
0x83: {  	vm15 =	vmor vm2, vm14;
	v4 =	vnsel vm3, $0x0, v7  }
0x84: {  	v1 =	vmax.f32 v1, $0.0e+00;
	v2 =	vadd.f32 v4, v2;
	v3 =	vadd.f32 v6, v3  }
0x85: {  	s4 =	sadd.s32 $0x10, s2;
	v5 =	vsel vm15, $0x3F800000, v0;
	v1 =	vnsel vm15, $0x0, v1  }
0x86: {  	s2 =	smov.u32 s4;
	v4 =	vadd.f32 v1, v2;
	v5 =	vadd.f32 v5, v3  }
0x87: {  	_ = 	snop  }
0x88: {  	s2 =	sshll.u32 s1, $0x5;
	s30 =	simm.s32 $0x0;
	[tilespmem:$0x1200] =	vst v4  }
0x89: {  	s4 =	simm.s32 $0x1200;
	s31 =	simm.s32 $0x1;
	s2 =	sadd.s32 s3, s2;
	[tilespmem:$0x1280] =	vst v5  }
0x8a: {  	[hbm4b:s2+s30] =	stream.linear.scatter [tilespmem:s4], [sflag:$0x1], $0x100, $0x38;
	[tilespmem:$0x1300] =	vst v63  }
0x8b: {  	_ =	swait.ge [sflag:s31], $0x100  }
0x8c: {  	[sflag:s31] =	ssyncset.done $0x0  }
0x8d: {  	[sflag:s31] =	ssyncadd.s32 $0xFFFFFF00  }
0x8e: {  	_ =	sfence.sel $0x180000  }
0x8f: {  	[bflag:$0x0] =	sbarrier.arrive $0xFFFF  }
0x90: {  	p0 =	sne.s32 s1, $0x0;
	_ =	strace $0x90000047  }
0x91: {  	s0 =	sadd.s32 @!p0 $0x100000, s0;
	[bflag:$0x2] =	sbarrier.arrive $0xFFFF  }
0x92: {  	[sflag:s0] =	ssyncadd.tile.s32 @!p0 $0x1;
	_ =	shalt  }
.Lfunc_end2:
_tile_overlayer_lowered:
.L_overlay_start_2:
0x93: {  	(tag) =	ssettag $0x2  }
0x94: {  	s0 =	rddreg [dreg:$0x0];
	s2 =	stileid.u32  }
0x95: {  	s1 =	rddreg [dreg:$0x1];
	p0 =	sne.s32 s2, $0x0  }
0x96: {  	s3 =	rddreg [dreg:$0x2];
	[bflag:$0x3] =	sbarrier.arrive $0xFFFF;
	s2 =	simm.s32 @!p0 $0x1C01  }
0x97: {  	[timem:s3], [sflag:s2] =	dma.local @!p0 [hbm:s0], s1  }
0x98: {  	s0 =	simm.s32 @!p0 $0x1  }
0x99: {  	_ =	swait.ge @!p0 [sflag:s0], s1  }
0x9a: {  	s1 =	ssub.s32 @!p0 $0x0, s1;
	[sflag:s0] =	ssyncset.done @!p0 $0x0  }
0x9b: {  	[sflag:s0] =	ssyncadd.s32 @!p0 s1  }
0x9c: {  	[bflag:$0x3] =	sbarrier.arrive $0xFFFF  }
0x9d: {  	_ =	shalt  }

</sc_bundles>
